<compile_context>
chip_gen: v7x
topology: tpu7x:2x2x1
jax: 0.10.2.dev20260603
libtpu: 0.0.44.dev20260713+nightly
codegen_flags: <defaults>
</compile_context>

<pallas_src>
import functools

import jax
import jax.numpy as jnp
from jax.experimental import pallas as pl
from jax.experimental.pallas import tpu as pltpu
from jax.experimental.pallas import tpu_sc as plsc

NB = 512
CD = 64

_SC_INFO = plsc.get_sparse_core_info()
_NC = _SC_INFO.num_cores
_NS = _SC_INFO.num_subcores
_L = _SC_INFO.num_lanes
_NW = _NC * _NS


def _vq_body(x_ref, cb_ref, out_ref, idx_ref, loss_ref, cba_ref):
    first = (pl.program_id(0) == 0) & (pl.program_id(1) == 0)
    tt = x_ref.shape[2]

    @pl.when(first)
    def _():
        cb0 = cb_ref[...]
        cba_ref[:, :CD] = -2.0 * cb0
        cba_ref[:, CD:] = jnp.sum(cb0 * cb0, axis=1, keepdims=True)

    xt = x_ref[0]
    xn2 = jnp.sum(xt * xt, axis=0, keepdims=True)
    inv = jax.lax.rsqrt(jnp.maximum(xn2, 1e-24))
    xf = xt * inv
    xfn2 = xn2 * (inv * inv)
    xfa = jnp.concatenate([xf, jnp.ones((1, tt), jnp.float32)], axis=0)

    score = jax.lax.dot_general(cba_ref[...], xfa, (((1,), (0,)), ((), ())),
                                preferred_element_type=jnp.float32)

    idx = jnp.argmin(score, axis=0)
    idx_ref[0] = idx[None, :]
    onehot = (jax.lax.broadcasted_iota(jnp.int32, score.shape, 0)
              == idx[None, :]).astype(jnp.float32)

    xd = jax.lax.dot_general(cb_ref[...], onehot, (((0,), (0,)), ((), ())),
                             preferred_element_type=jnp.float32)
    out_ref[0] = xd

    mind = jnp.min(score, axis=0, keepdims=True) + xfn2
    lsum = jnp.sum(mind).reshape(1, 1)

    @pl.when(first)
    def _():
        loss_ref[...] = lsum

    @pl.when(jnp.logical_not(first))
    def _():
        loss_ref[...] = loss_ref[...] + lsum


def _hist_body(idx_hbm, out_hbm, idx_v, cnt_v):
    wid = jax.lax.axis_index("s") * _NC + jax.lax.axis_index("c")
    nper = idx_hbm.shape[0] // _NW
    base = wid * nper
    pltpu.sync_copy(idx_hbm.at[pl.ds(base, nper)], idx_v)

    def zero_row(b, c):
        cnt_v[pl.ds(b * _L, _L)] = jnp.zeros((_L,), jnp.float32)
        return c

    jax.lax.fori_loop(0, NB, zero_row, 0)

    lanes = jax.lax.iota(jnp.int32, _L)
    ones = jnp.ones((_L,), jnp.float32)

    def upd(c, carry):
        iv = idx_v[pl.ds(c * _L, _L)]
        plsc.addupdate_scatter(cnt_v, [iv * _L + lanes], ones)
        return carry

    jax.lax.fori_loop(0, nper // _L, upd, 0)
    pltpu.sync_copy(cnt_v, out_hbm.at[wid])


@functools.partial(jax.jit, static_argnames=("tt",))
def _vq(x, codebook, tt=2048):
    n, w, t = x.shape
    out, idx, lsum = pl.pallas_call(
        _vq_body,
        grid=(n, t // tt),
        in_specs=[
            pl.BlockSpec((1, w, tt), lambda i, j: (i, 0, j)),
            pl.BlockSpec((NB, CD), lambda i, j: (0, 0)),
        ],
        out_specs=[
            pl.BlockSpec((1, w, tt), lambda i, j: (i, 0, j)),
            pl.BlockSpec((1, 1, tt), lambda i, j: (i, 0, j)),
            pl.BlockSpec((1, 1), lambda i, j: (0, 0)),
        ],
        out_shape=[
            jax.ShapeDtypeStruct((n, w, t), jnp.float32),
            jax.ShapeDtypeStruct((n, 1, t), jnp.int32),
            jax.ShapeDtypeStruct((1, 1), jnp.float32),
        ],
        scratch_shapes=[pltpu.VMEM((NB, CD + 1), jnp.float32)],
    )(x, codebook)

    ntok = n * t
    hist = pl.kernel(
        _hist_body,
        mesh=plsc.VectorSubcoreMesh(core_axis_name="c", subcore_axis_name="s"),
        out_type=jax.ShapeDtypeStruct((_NW, NB * _L), jnp.float32),
        scratch_types=[
            pltpu.VMEM((ntok // _NW,), jnp.int32),
            pltpu.VMEM((NB * _L,), jnp.float32),
        ],
        compiler_params=pltpu.CompilerParams(needs_layout_passes=False),
    )
    parts = hist(idx.reshape(ntok))

    count = jnp.sum(parts.reshape(_NW, NB, _L), axis=(0, 2))
    prob = count / jnp.sum(count)
    perplexity = jnp.exp(-jnp.sum(prob * jnp.log(prob + 1e-7)))
    commit_loss = lsum[0, 0] / (ntok * w)
    return out, commit_loss, perplexity


def kernel(x, codebook):
    return _vq(x, codebook)

# --- scband reference (transcript-rebuilt; emitter-appended) ---
"""Pipeline reference for scband-quantize-emareset-l2-12421045420158 (READ-ONLY COPY).

The authoritative reference and input builder live on the scoring server;
editing this copy changes nothing except your own understanding.
"""

import jax, jax.numpy as jnp
import numpy as np

NB_CODE = 512
CODE_DIM = 64

def l2norm(t):
    n = jnp.linalg.norm(t, ord=2, axis=-1, keepdims=True)
    return t / jnp.maximum(n, 1e-12)

def setup_inputs(seed: int = 0) -> dict:
    key = jax.random.key(seed)
    k1, k2 = jax.random.split(key)
    x = jax.random.normal(k1, (32, CODE_DIM, 2048), dtype=jnp.float32)
    # learned codebook buffer (module keeps it L2-normalized after updates)
    codebook = l2norm(jax.random.normal(k2, (NB_CODE, CODE_DIM), dtype=jnp.float32))
    return {"x": x, "codebook": codebook}

def reference(x, codebook):
    # eval-mode forward of QuantizeEMAResetL2
    N, width, T = x.shape
    # preprocess: (N, width, T) -> (N*T, width)
    xf = jnp.transpose(x, (0, 2, 1)).reshape(-1, width)
    xf = l2norm(xf)
    # quantize: argmin squared L2 distance
    k_w = codebook.T  # (code_dim, nb_code)
    distance = (jnp.sum(xf ** 2, axis=-1, keepdims=True)
                - 2.0 * jnp.matmul(xf, k_w)
                + jnp.sum(k_w ** 2, axis=0, keepdims=True))
    code_idx = jnp.argmin(distance, axis=-1)
    # dequantize: embedding gather
    x_d = jnp.take(codebook, code_idx, axis=0)
    # compute_perplexity (scatter-add histogram of code usage)
    code_count = jnp.zeros((NB_CODE,), dtype=jnp.float32).at[code_idx].add(1.0)
    prob = code_count / jnp.sum(code_count)
    perplexity = jnp.exp(-jnp.sum(prob * jnp.log(prob + 1e-7)))
    # commitment loss + straight-through estimator
    commit_loss = jnp.mean((xf - jax.lax.stop_gradient(x_d)) ** 2)
    x_d_st = xf + jax.lax.stop_gradient(x_d - xf)
    out = jnp.transpose(x_d_st.reshape(N, T, -1), (0, 2, 1))
    return (out, commit_loss, perplexity)

if __name__ == "__main__":
    import jax
    _d = setup_inputs()
    print(jax.jit(kernel)(*tuple(_d.values())))

</pallas_src>

<mosaic_0001>
#map = affine_map<(d0, d1) -> (0)>
#map1 = affine_map<(d0, d1) -> (0, 0)>
module attributes {stable_mosaic.version = 14 : i64} {
  func.func @_hist_body(%arg0: i32, %arg1: i32, %arg2: memref<65536xi32, #tpu.memory_space<hbm>>, %arg3: memref<32x8192xf32, #tpu.memory_space<hbm>>, %arg4: memref<2048xi32, #tpu.memory_space<vmem>>, %arg5: memref<8192xf32, #tpu.memory_space<vmem>>) attributes {dimension_semantics = [#tpu.dimension_semantics<core_parallel>, #tpu.dimension_semantics<subcore_parallel>], iteration_bounds = array<i64: 2, 16>, scalar_prefetch = 0 : i64, scratch_operands = 2 : i64, tpu.core_type = #tpu.core_type<sc_vector_subcore>, window_params = [{transform_indices = #map}, {transform_indices = #map1}]} {
    %mul3A = arith.constant 2 : i32
    %mul3A_0 = arith.muli %arg1, %mul3A : i32
    %add3A = arith.addi %mul3A_0, %arg0 : i32
    %mul3A_1 = arith.constant 2048 : i32
    %mul3A_2 = arith.muli %add3A, %mul3A_1 : i32
    "tpu.region"() ({
      %run_scoped3A = tpu.sem_alloc : memref<!tpu.dma_semaphore, #tpu.memory_space<semaphore_mem>>
      %dma_start3A = tpu.memref_slice %arg2[%mul3A_2] : memref<65536xi32, #tpu.memory_space<hbm>> -> memref<2048xi32, #tpu.memory_space<hbm>>
      %dma_start3A_15 = tpu.memref_slice %arg2[%mul3A_2] : memref<65536xi32, #tpu.memory_space<hbm>> -> memref<2048xi32, #tpu.memory_space<hbm>>
      tpu.enqueue_dma source(%dma_start3A_15 : memref<2048xi32, #tpu.memory_space<hbm>>) target(%arg4 : memref<2048xi32, #tpu.memory_space<vmem>>) target_semaphore(%run_scoped3A : memref<!tpu.dma_semaphore, #tpu.memory_space<semaphore_mem>>)
      %dma_wait3A = tpu.memref_slice %arg2[%mul3A_2] : memref<65536xi32, #tpu.memory_space<hbm>> -> memref<2048xi32, #tpu.memory_space<hbm>>
      %dma_wait3A_16 = tpu.memref_slice %arg2[%mul3A_2] : memref<65536xi32, #tpu.memory_space<hbm>> -> memref<2048xi32, #tpu.memory_space<hbm>>
      tpu.wait_dma2 semaphore(%run_scoped3A : memref<!tpu.dma_semaphore, #tpu.memory_space<semaphore_mem>>) src(%dma_wait3A_16 : memref<2048xi32, #tpu.memory_space<hbm>>) dst(%arg4 : memref<2048xi32, #tpu.memory_space<vmem>>)
      tpu.yield
    }) : () -> ()
    %scan3A = arith.constant 0 : i32
    %scan3A_3 = arith.constant 0 : i32
    %scan3A_4 = arith.constant 512 : i32
    %scan3A_5 = arith.addi %scan3A_3, %scan3A_4 : i32
    %scan3A_6 = arith.constant 1 : i32
    scf.for %scan3A_15 = %scan3A_3 to %scan3A_5 step %scan3A_6  : i32 {
      %broadcast_in_dim3A_16 = arith.constant 0.000000e+00 : f32
      %broadcast_in_dim3A_17 = vector.broadcast %broadcast_in_dim3A_16 : f32 to vector<16xf32>
      %mul3A_18 = arith.constant 16 : i32
      %mul3A_19 = arith.muli %scan3A_15, %mul3A_18 : i32
      %swap3A = arith.index_cast %mul3A_19 : i32 to index
      %swap3A_20 = tpu.vector_load %arg5[%swap3A] {strides = array<i32>} : memref<8192xf32, #tpu.memory_space<vmem>>, vector<16xf32>,
      tpu.vector_store %arg5[%swap3A], %broadcast_in_dim3A_17 {strides = array<i32>} : memref<8192xf32, #tpu.memory_space<vmem>>, vector<16xf32>,
    }
    %scan3A_7 = arith.constant 512 : i32
    %iota3A = tpu.iota {dimensions = array<i32: 0>} : vector<16xi32>
    %broadcast_in_dim3A = arith.constant 1.000000e+00 : f32
    %broadcast_in_dim3A_8 = vector.broadcast %broadcast_in_dim3A : f32 to vector<16xf32>
    %scan3A_9 = arith.constant 0 : i32
    %scan3A_10 = arith.constant 0 : i32
    %scan3A_11 = arith.constant 128 : i32
    %scan3A_12 = arith.addi %scan3A_10, %scan3A_11 : i32
    %scan3A_13 = arith.constant 1 : i32
    scf.for %scan3A_15 = %scan3A_10 to %scan3A_12 step %scan3A_13  : i32 {
      %mul3A_16 = arith.constant 16 : i32
      %mul3A_17 = arith.muli %scan3A_15, %mul3A_16 : i32
      %get3A = arith.index_cast %mul3A_17 : i32 to index
      %get3A_18 = tpu.vector_load %arg4[%get3A] {strides = array<i32>} : memref<2048xi32, #tpu.memory_space<vmem>>, vector<16xi32>,
      %mul3A_19 = arith.constant 16 : i32
      %mul3A_20 = vector.broadcast %mul3A_19 : i32 to vector<16xi32>
      %mul3A_21 = arith.muli %get3A_18, %mul3A_20 : vector<16xi32>
      %add3A_22 = arith.addi %mul3A_21, %iota3A : vector<16xi32>
      tpu.vector_store_idx %arg5[%add3A_22], %broadcast_in_dim3A_8 {add = true} : memref<8192xf32, #tpu.memory_space<vmem>>[vector<16xi32>], vector<16xf32>,
    }
    %scan3A_14 = arith.constant 128 : i32
    "tpu.region"() ({
      %run_scoped3A = tpu.sem_alloc : memref<!tpu.dma_semaphore, #tpu.memory_space<semaphore_mem>>
      %dma_start3A = arith.constant 0 : i32
      %dma_start3A_15 = tpu.memref_slice %arg3[%add3A, %dma_start3A] : memref<32x8192xf32, #tpu.memory_space<hbm>> -> memref<1x8192xf32, #tpu.memory_space<hbm>>
      %dma_start3A_16 = tpu.memref_squeeze %dma_start3A_15 : memref<1x8192xf32, #tpu.memory_space<hbm>> -> memref<8192xf32, #tpu.memory_space<hbm>>
      %dma_start3A_17 = arith.constant 0 : i32
      %dma_start3A_18 = tpu.memref_slice %arg3[%add3A, %dma_start3A_17] : memref<32x8192xf32, #tpu.memory_space<hbm>> -> memref<1x8192xf32, #tpu.memory_space<hbm>>
      %dma_start3A_19 = tpu.memref_squeeze %dma_start3A_18 : memref<1x8192xf32, #tpu.memory_space<hbm>> -> memref<8192xf32, #tpu.memory_space<hbm>>
      tpu.enqueue_dma source(%arg5 : memref<8192xf32, #tpu.memory_space<vmem>>) target(%dma_start3A_19 : memref<8192xf32, #tpu.memory_space<hbm>>) target_semaphore(%run_scoped3A : memref<!tpu.dma_semaphore, #tpu.memory_space<semaphore_mem>>)
      %dma_wait3A = arith.constant 0 : i32
      %dma_wait3A_20 = tpu.memref_slice %arg3[%add3A, %dma_wait3A] : memref<32x8192xf32, #tpu.memory_space<hbm>> -> memref<1x8192xf32, #tpu.memory_space<hbm>>
      %dma_wait3A_21 = tpu.memref_squeeze %dma_wait3A_20 : memref<1x8192xf32, #tpu.memory_space<hbm>> -> memref<8192xf32, #tpu.memory_space<hbm>>
      %dma_wait3A_22 = arith.constant 0 : i32
      %dma_wait3A_23 = tpu.memref_slice %arg3[%add3A, %dma_wait3A_22] : memref<32x8192xf32, #tpu.memory_space<hbm>> -> memref<1x8192xf32, #tpu.memory_space<hbm>>
      %dma_wait3A_24 = tpu.memref_squeeze %dma_wait3A_23 : memref<1x8192xf32, #tpu.memory_space<hbm>> -> memref<8192xf32, #tpu.memory_space<hbm>>
      tpu.wait_dma2 semaphore(%run_scoped3A : memref<!tpu.dma_semaphore, #tpu.memory_space<semaphore_mem>>) src(%arg5 : memref<8192xf32, #tpu.memory_space<vmem>>) dst(%dma_wait3A_24 : memref<8192xf32, #tpu.memory_space<hbm>>)
      tpu.yield
    }) : () -> ()
    return
  }
}

module attributes {stable_mosaic.version = 14 : i64} {
  func.func @_vq_body(%arg0: i32, %arg1: i32, %arg2: memref<1x64x2048xf32, #tpu.memory_space<vmem>>, %arg3: memref<512x64xf32, #tpu.memory_space<vmem>>, %arg4: memref<1x64x2048xf32, #tpu.memory_space<vmem>>, %arg5: memref<1x1x2048xi32, #tpu.memory_space<vmem>>, %arg6: memref<1x1xf32, #tpu.memory_space<vmem>>, %arg7: memref<512x65xf32, #tpu.memory_space<vmem>>) attributes {dimension_semantics = [#tpu.dimension_semantics<arbitrary>, #tpu.dimension_semantics<arbitrary>], iteration_bounds = array<i64: 32, 1>, scalar_prefetch = 0 : i64, scratch_operands = 1 : i64, tpu.core_type = #tpu.core_type<tc>, window_params = [{transform_indices = @transform_0, window_bounds = array<i64: 1, 64, 2048>}, {pipeline_mode = #tpu.pipeline_mode<synchronous>, transform_indices = @transform_1, window_bounds = array<i64: 512, 64>}, {transform_indices = @transform_2, window_bounds = array<i64: 1, 64, 2048>}, {transform_indices = @transform_3, window_bounds = array<i64: 1, 1, 2048>}, {pipeline_mode = #tpu.pipeline_mode<synchronous>, transform_indices = @transform_4, window_bounds = array<i64: 1, 1>}]} {
    %eq3A = arith.constant 0 : i32
    %eq3A_0 = arith.cmpi eq, %arg0, %eq3A : i32
    %eq3A_1 = arith.constant 0 : i32
    %eq3A_2 = arith.cmpi eq, %arg1, %eq3A_1 : i32
    %and3A = arith.andi %eq3A_0, %eq3A_2 : i1
    %convert_element_type3A = arith.extui %and3A : i1 to i32
    %cond3A = arith.constant 0 : i32
    %cond3A_3 = arith.cmpi ne, %convert_element_type3A, %cond3A : i32
    scf.if %cond3A_3 {
      %get3A_57 = arith.constant 0 : index
      %get3A_58 = arith.constant 0 : index
      %get3A_59 = vector.load %arg3[%get3A_57, %get3A_58] : memref<512x64xf32, #tpu.memory_space<vmem>>, vector<512x64xf32>
      %mul3A_60 = arith.constant -2.000000e+00 : f32
      %mul3A_61 = vector.broadcast %mul3A_60 : f32 to vector<512x64xf32>
      %mul3A_62 = arith.mulf %mul3A_61, %get3A_59 : vector<512x64xf32>
      %swap3A_63 = arith.constant 0 : index
      %swap3A_64 = arith.constant 0 : index
      %swap3A_65 = vector.load %arg7[%swap3A_63, %swap3A_64] : memref<512x65xf32, #tpu.memory_space<vmem>>, vector<512x64xf32>
      tpu.vector_store %arg7[%swap3A_63, %swap3A_64], %mul3A_62 {strides = array<i32>} : memref<512x65xf32, #tpu.memory_space<vmem>>, vector<512x64xf32>,
      %mul3A_66 = arith.mulf %get3A_59, %get3A_59 : vector<512x64xf32>
      %reduce_sum3A_67 = arith.constant dense<0.000000e+00> : vector<512xf32>
      %reduce_sum3A_68 = vector.multi_reduction <add>, %mul3A_66, %reduce_sum3A_67 [1] : vector<512x64xf32> to vector<512xf32>
      %broadcast_in_dim3A_69 = vector.shape_cast %reduce_sum3A_68 : vector<512xf32> to vector<512x1xf32>
      %swap3A_70 = arith.constant 0 : index
      %swap3A_71 = arith.constant 64 : index
      %swap3A_72 = vector.load %arg7[%swap3A_70, %swap3A_71] : memref<512x65xf32, #tpu.memory_space<vmem>>, vector<512x1xf32>
      tpu.vector_store %arg7[%swap3A_70, %swap3A_71], %broadcast_in_dim3A_69 {strides = array<i32>} : memref<512x65xf32, #tpu.memory_space<vmem>>, vector<512x1xf32>,
    } else {
    }
    %get3A = arith.constant 0 : index
    %get3A_4 = arith.constant 0 : index
    %get3A_5 = arith.constant 0 : index
    %get3A_6 = vector.load %arg2[%get3A, %get3A_4, %get3A_5] : memref<1x64x2048xf32, #tpu.memory_space<vmem>>, vector<1x64x2048xf32>
    %get3A_7 = vector.shape_cast %get3A_6 : vector<1x64x2048xf32> to vector<64x2048xf32>
    %mul3A = arith.mulf %get3A_7, %get3A_7 : vector<64x2048xf32>
    %reduce_sum3A = arith.constant dense<0.000000e+00> : vector<2048xf32>
    %reduce_sum3A_8 = vector.multi_reduction <add>, %mul3A, %reduce_sum3A [0] : vector<64x2048xf32> to vector<2048xf32>
    %broadcast_in_dim3A = vector.shape_cast %reduce_sum3A_8 : vector<2048xf32> to vector<1x2048xf32>
    %max3A = arith.constant 1.000000e-24 : f32
    %max3A_9 = vector.broadcast %max3A : f32 to vector<1x2048xf32>
    %max3A_10 = arith.maximumf %broadcast_in_dim3A, %max3A_9 : vector<1x2048xf32>
    %rsqrt3A = math.rsqrt %max3A_10 : vector<1x2048xf32>
    %mul3A_11 = vector.broadcast %rsqrt3A : vector<1x2048xf32> to vector<64x2048xf32>
    %mul3A_12 = arith.mulf %get3A_7, %mul3A_11 : vector<64x2048xf32>
    %mul3A_13 = arith.mulf %rsqrt3A, %rsqrt3A : vector<1x2048xf32>
    %mul3A_14 = arith.mulf %broadcast_in_dim3A, %mul3A_13 : vector<1x2048xf32>
    %broadcast_in_dim3A_15 = arith.constant 1.000000e+00 : f32
    %broadcast_in_dim3A_16 = vector.broadcast %broadcast_in_dim3A_15 : f32 to vector<1x2048xf32>
    %concatenate3A = tpu.concatenate %mul3A_12, %broadcast_in_dim3A_16 in 0 : vector<64x2048xf32>, vector<1x2048xf32> -> vector<65x2048xf32>
    %get3A_17 = arith.constant 0 : index
    %get3A_18 = arith.constant 0 : index
    %get3A_19 = vector.load %arg7[%get3A_17, %get3A_18] : memref<512x65xf32, #tpu.memory_space<vmem>>, vector<512x65xf32>
    %dot_general3A = arith.constant dense<0.000000e+00> : vector<512x2048xf32>
    %dot_general3A_20 = tpu.matmul %get3A_19, %concatenate3A, %dot_general3A {dimension_numbers = #tpu.dot_dimension_numbers<[1], [0], [0], [1], [0, 0, 1, 1], [], []>, transpose_lhs_hint = false} : vector<512x65xf32>, vector<65x2048xf32>, vector<512x2048xf32> -> vector<512x2048xf32>
    %argmin3A = tpu.reduce_index %dot_general3A_20 {axis = 0 : i32, kind = #tpu.reduction_kind<arg_min>} : vector<512x2048xf32> -> vector<2048xi32>
    %broadcast_in_dim3A_21 = vector.shape_cast %argmin3A : vector<2048xi32> to vector<1x2048xi32>
    %swap3A = arith.constant 0 : index
    %swap3A_22 = arith.constant 0 : index
    %swap3A_23 = arith.constant 0 : index
    %swap3A_24 = vector.load %arg5[%swap3A, %swap3A_22, %swap3A_23] : memref<1x1x2048xi32, #tpu.memory_space<vmem>>, vector<1x1x2048xi32>
    %swap3A_25 = vector.shape_cast %swap3A_24 : vector<1x1x2048xi32> to vector<1x2048xi32>
    %swap3A_26 = vector.shape_cast %broadcast_in_dim3A_21 : vector<1x2048xi32> to vector<1x1x2048xi32>
    tpu.vector_store %arg5[%swap3A, %swap3A_22, %swap3A_23], %swap3A_26 {strides = array<i32>} : memref<1x1x2048xi32, #tpu.memory_space<vmem>>, vector<1x1x2048xi32>,
    %iota3A = tpu.iota {dimensions = array<i32: 0>} : vector<512x2048xi32>
    %broadcast_in_dim3A_27 = vector.shape_cast %argmin3A : vector<2048xi32> to vector<1x2048xi32>
    %eq3A_28 = vector.broadcast %broadcast_in_dim3A_27 : vector<1x2048xi32> to vector<512x2048xi32>
    %eq3A_29 = arith.cmpi eq, %iota3A, %eq3A_28 : vector<512x2048xi32>
    %convert_element_type3A_30 = arith.extui %eq3A_29 : vector<512x2048xi1> to vector<512x2048xi32>
    %convert_element_type3A_31 = arith.sitofp %convert_element_type3A_30 : vector<512x2048xi32> to vector<512x2048xf32>
    %get3A_32 = arith.constant 0 : index
    %get3A_33 = arith.constant 0 : index
    %get3A_34 = vector.load %arg3[%get3A_32, %get3A_33] : memref<512x64xf32, #tpu.memory_space<vmem>>, vector<512x64xf32>
    %dot_general3A_35 = arith.constant dense<0.000000e+00> : vector<64x2048xf32>
    %dot_general3A_36 = tpu.matmul %get3A_34, %convert_element_type3A_31, %dot_general3A_35 {dimension_numbers = #tpu.dot_dimension_numbers<[0], [0], [1], [1], [0, 1, 1, 1], [], []>, transpose_lhs_hint = false} : vector<512x64xf32>, vector<512x2048xf32>, vector<64x2048xf32> -> vector<64x2048xf32>
    %swap3A_37 = arith.constant 0 : index
    %swap3A_38 = arith.constant 0 : index
    %swap3A_39 = arith.constant 0 : index
    %swap3A_40 = vector.load %arg4[%swap3A_37, %swap3A_38, %swap3A_39] : memref<1x64x2048xf32, #tpu.memory_space<vmem>>, vector<1x64x2048xf32>
    %swap3A_41 = vector.shape_cast %swap3A_40 : vector<1x64x2048xf32> to vector<64x2048xf32>
    %swap3A_42 = vector.shape_cast %dot_general3A_36 : vector<64x2048xf32> to vector<1x64x2048xf32>
    tpu.vector_store %arg4[%swap3A_37, %swap3A_38, %swap3A_39], %swap3A_42 {strides = array<i32>} : memref<1x64x2048xf32, #tpu.memory_space<vmem>>, vector<1x64x2048xf32>,
    %reduce_min3A = arith.constant dense<0x7F800000> : vector<2048xf32>
    %reduce_min3A_43 = vector.multi_reduction <minimumf>, %dot_general3A_20, %reduce_min3A [0] : vector<512x2048xf32> to vector<2048xf32>
    %broadcast_in_dim3A_44 = vector.shape_cast %reduce_min3A_43 : vector<2048xf32> to vector<1x2048xf32>
    %add3A = arith.addf %broadcast_in_dim3A_44, %mul3A_14 : vector<1x2048xf32>
    %reduce_sum3A_45 = vector.shape_cast %add3A : vector<1x2048xf32> to vector<1x1x2048xf32>
    %reduce_sum3A_46 = arith.constant dense<0.000000e+00> : vector<1xf32>
    %reduce_sum3A_47 = vector.multi_reduction <add>, %reduce_sum3A_45, %reduce_sum3A_46 [1, 2] : vector<1x1x2048xf32> to vector<1xf32>
    %reduce_sum3A_48 = vector.shape_cast %reduce_sum3A_47 : vector<1xf32> to vector<1x1x1xf32>
    %reduce_sum3A_49 = vector.extract %reduce_sum3A_48[0, 0, 0] : f32 from vector<1x1x1xf32>
    %reshape3A = vector.broadcast %reduce_sum3A_49 : f32 to vector<1x1xf32>
    %convert_element_type3A_50 = arith.extui %and3A : i1 to i32
    %cond3A_51 = arith.constant 0 : i32
    %cond3A_52 = arith.cmpi ne, %convert_element_type3A_50, %cond3A_51 : i32
    scf.if %cond3A_52 {
      %swap3A_57 = arith.constant 0 : index
      %swap3A_58 = arith.constant 0 : index
      %swap3A_59 = vector.load %arg6[%swap3A_57, %swap3A_58] : memref<1x1xf32, #tpu.memory_space<vmem>>, vector<1x1xf32>
      tpu.vector_store %arg6[%swap3A_57, %swap3A_58], %reshape3A {strides = array<i32>} : memref<1x1xf32, #tpu.memory_space<vmem>>, vector<1x1xf32>,
    } else {
    }
    %not3A = arith.constant true
    %not3A_53 = arith.xori %and3A, %not3A : i1
    %convert_element_type3A_54 = arith.extui %not3A_53 : i1 to i32
    %cond3A_55 = arith.constant 0 : i32
    %cond3A_56 = arith.cmpi ne, %convert_element_type3A_54, %cond3A_55 : i32
    scf.if %cond3A_56 {
      %get3A_57 = arith.constant 0 : index
      %get3A_58 = arith.constant 0 : index
      %get3A_59 = vector.load %arg6[%get3A_57, %get3A_58] : memref<1x1xf32, #tpu.memory_space<vmem>>, vector<1x1xf32>
      %add3A_60 = arith.addf %get3A_59, %reshape3A : vector<1x1xf32>
      %swap3A_61 = arith.constant 0 : index
      %swap3A_62 = arith.constant 0 : index
      %swap3A_63 = vector.load %arg6[%swap3A_61, %swap3A_62] : memref<1x1xf32, #tpu.memory_space<vmem>>, vector<1x1xf32>
      tpu.vector_store %arg6[%swap3A_61, %swap3A_62], %add3A_60 {strides = array<i32>} : memref<1x1xf32, #tpu.memory_space<vmem>>, vector<1x1xf32>,
    } else {
    }
    return
  }
  func.func @transform_0(%arg0: i32, %arg1: i32) -> (i32, i32, i32) {
    %c0_i32 = arith.constant 0 : i32
    %c0_i32_0 = arith.constant 0 : i32
    return %arg0, %c0_i32, %arg1 : i32, i32, i32
  }
  func.func @transform_1(%arg0: i32, %arg1: i32) -> (i32, i32) {
    %c0_i32 = arith.constant 0 : i32
    %c0_i32_0 = arith.constant 0 : i32
    %c0_i32_1 = arith.constant 0 : i32
    return %c0_i32, %c0_i32_0 : i32, i32
  }
  func.func @transform_2(%arg0: i32, %arg1: i32) -> (i32, i32, i32) {
    %c0_i32 = arith.constant 0 : i32
    %c0_i32_0 = arith.constant 0 : i32
    return %arg0, %c0_i32, %arg1 : i32, i32, i32
  }
  func.func @transform_3(%arg0: i32, %arg1: i32) -> (i32, i32, i32) {
    %c0_i32 = arith.constant 0 : i32
    %c0_i32_0 = arith.constant 0 : i32
    return %arg0, %c0_i32, %arg1 : i32, i32, i32
  }
  func.func @transform_4(%arg0: i32, %arg1: i32) -> (i32, i32) {
    %c0_i32 = arith.constant 0 : i32
    %c0_i32_0 = arith.constant 0 : i32
    %c0_i32_1 = arith.constant 0 : i32
    return %c0_i32, %c0_i32_0 : i32, i32
  }
}

</mosaic_0001>

<sc_bundles>
// kernel: _vq.4.cloned.1.call-start
scs
__scs_entry_jumppad:
0x0: {  	(pc) =	sbr.rel $0x88, $3  }
0x1: {  	(tag) =	ssettag $0x0;
	lr =	simm.s32 $0x1  }
0x2: {  	[smem:$0x3F9F] =	sst lr;
	_ =	strace $0xD0000000  }
0x3: {  	_ = 	snop  }
0x4: {  	_ = 	snop  }
0x5: {  	_ = 	snop  }
0x6: {  	_ = 	snop  }
0x7: {  	_ = 	snop  }
__scs_overlays_trampoline_lowered:
0x8: {  	[smem:$0x3FAE] =	sst s0  }
0x9: {  	[smem:$0x3FAF] =	sst s1  }
0xa: {  	[smem:$0x3FB0] =	sst s2  }
0xb: {  	[smem:$0x3FB1] =	sst s3  }
0xc: {  	[smem:$0x3FB2] =	sst s4  }
0xd: {  	[smem:$0x3FB3] =	sst s5  }
0xe: {  	[smem:$0x3FB4] =	sst s6  }
0xf: {  	[smem:$0x3FB5] =	sst s7  }
0x10: {  	[smem:$0x3FB6] =	sst s8  }
0x11: {  	[smem:$0x3FB7] =	sst s9;
	s0 =	simm.s32 @!p0 $0x0  }
0x12: {  	s1 =	sld [smem:$0x3F9D];
	s0 =	simm.s32 @p0 $0x1  }
0x13: {  	[smem:$0x3FB8] =	sst s0;
	s0 =	simm.s32 @!p1 $0x0  }
0x14: {  	s2 =	sld [smem:$0x3F9C];
	s0 =	simm.s32 @p1 $0x1  }
0x15: {  	[smem:$0x3FB9] =	sst s0;
	s0 =	simm.s32 @!p2 $0x0  }
0x16: {  	s3 =	sld [smem:$0x3FDB];
	s0 =	simm.s32 @p2 $0x1  }
0x17: {  	s4 =	simm.s32 $0x1BF5;
	[smem:$0x3FBB] =	sst s0  }
0x18: {  	s0 =	sld [smem:$0x3F9E];
	_ =	swait.ge [sflag:s4], $0x0  }
0x19: {  	s7 =	sld [smem:$0x3F9F]  }
0x1a: {  	s8 =	sadd.s32 $0xFFFFE003, lr  }
0x1b: {  	s9 =	sadd.s32 $0xFFFFFEF7, lr;
	s5 =	simm.s32 $0xFFFFFFFF;
	p2 =	slt.u32 s8, $0xFFFFF086  }
0x1c: {  	p1 =	slt.u32 s9, $0xF7A;
	s5 =	simm.s32 @!p2 $0x0  }
0x1d: {  	s5 =	simm.s32 @p1 $0x1;
	p0 =	seq.s32 s7, s2  }
0x1e: {  	s7 =	smul.u32 @!p0 $0xF7A, s2;
	p2 =	seq.s32 @!p0 s5, $0x0  }
0x1f: {  	s9 =	smul.u32 $0xF7A, s1;
	s8 =	simm.s32 @!p0 $0x1BF5;
	p2 =	por !p2, p0  }
0x20: {  	[sflag:s8] =	ssyncset.s32 @!p0 $0xFFFFF086;
	s6 =	sadd.s32 @!p0 s3, s7;
	s7 =	simm.s32 @!p0 $0x108  }
0x21: {  	s3 =	sadd.s32 s3, s9;
	s6 =	sadd.s32 @!p0 $0x88, s6;
	s7 =	simm.s32 @p2 $0x1082  }
0x22: {  	[simem:s7], [sflag:s8] =	dma.local @!p0 [hbm:s6], $0xF7A  }
0x23: {  	s9 =	sor.u32 $0xD0000000, s2;
	s6 =	simm.s32 $0x108;
	_ =	swait.ge @!p0 [sflag:s8], $0x0  }
0x24: {  	s3 =	sadd.s32 $0x88, s3;
	s6 =	simm.s32 @!p1 $0x1082;
	[sflag:s4] =	ssyncset.s32 $0xFFFFF086  }
0x25: {  	[simem:s6], [sflag:s4] =	dma.local [hbm:s3], $0xF7A  }
0x26: {  	[smem:$0x3F9F] =	sst s1;
	(tag) =	ssettag s2;
	_ =	strace s9  }
0x27: {  	s1 =	sld [smem:$0x3FAF]  }
0x28: {  	s2 =	sld [smem:$0x3FB0]  }
0x29: {  	s4 =	sld [smem:$0x3FB2]  }
0x2a: {  	p0 =	seq.s32 s5, $0x0;
	s5 =	sld [smem:$0x3FB3]  }
0x2b: {  	s6 =	sld [smem:$0x3FB4]  }
0x2c: {  	s7 =	sld [smem:$0x3FB5]  }
0x2d: {  	s3 =	simm.s32 $0x108;
	s8 =	sld [smem:$0x3FB6]  }
0x2e: {  	s3 =	simm.s32 @!p0 $0x1082;
	s9 =	sld [smem:$0x3FB7]  }
0x2f: {  	lr =	sadd.s32 s0, s3;
	s0 =	sld [smem:$0x3FAE]  }
0x30: {  	s3 =	sld [smem:$0x3FB1]  }
0x31: {  	[smem:$0x3FBA] =	sst s10  }
0x32: {  	s10 =	sld [smem:$0x3FB8];
	_ =	sdelay $0x3  }
0x33: {  	p0 =	seq.s32 s10, $0x1;
	s10 =	sld [smem:$0x3FBA];
	_ =	sdelay $0x3  }
0x34: {  	[smem:$0x3FBA] =	sst s10  }
0x35: {  	s10 =	sld [smem:$0x3FB9];
	_ =	sdelay $0x3  }
0x36: {  	p1 =	seq.s32 s10, $0x1;
	s10 =	sld [smem:$0x3FBA];
	_ =	sdelay $0x3  }
0x37: {  	[smem:$0x3FBA] =	sst s10  }
0x38: {  	s10 =	sld [smem:$0x3FBB]  }
0x39: {  	_ = 	snop;
	(pc) =	sbr.ind lr, $3  }
0x3a: {  	_ = 	snop  }
0x3b: {  	_ = 	snop  }
0x3c: {  	p2 =	seq.s32 s10, $0x1;
	s10 =	sld [smem:$0x3FBA]  }
0x3d: {  	_ =	shalt  }
0x3e: {  	_ =	shalt  }
0x3f: {  	_ =	shalt  }
0x40: {  	_ =	shalt  }
0x41: {  	_ =	shalt  }
0x42: {  	_ =	shalt  }
0x43: {  	_ =	shalt  }
0x44: {  	_ =	shalt  }
0x45: {  	_ =	shalt  }
0x46: {  	_ =	shalt  }
0x47: {  	_ =	shalt  }
0x48: {  	_ =	shalt  }
0x49: {  	_ =	shalt  }
0x4a: {  	_ =	shalt  }
0x4b: {  	_ =	shalt  }
0x4c: {  	_ =	shalt  }
0x4d: {  	_ =	shalt  }
0x4e: {  	_ =	shalt  }
0x4f: {  	_ =	shalt  }
0x50: {  	_ =	shalt  }
0x51: {  	_ =	shalt  }
0x52: {  	_ =	shalt  }
0x53: {  	_ =	shalt  }
0x54: {  	_ =	shalt  }
0x55: {  	_ =	shalt  }
0x56: {  	_ =	shalt  }
0x57: {  	_ =	shalt  }
0x58: {  	_ =	shalt  }
0x59: {  	_ =	shalt  }
0x5a: {  	_ =	shalt  }
0x5b: {  	_ =	shalt  }
0x5c: {  	_ =	shalt  }
0x5d: {  	_ =	shalt  }
0x5e: {  	_ =	shalt  }
0x5f: {  	_ =	shalt  }
0x60: {  	_ =	shalt  }
0x61: {  	_ =	shalt  }
0x62: {  	_ =	shalt  }
0x63: {  	_ =	shalt  }
0x64: {  	_ =	shalt  }
0x65: {  	_ =	shalt  }
0x66: {  	_ =	shalt  }
0x67: {  	_ =	shalt  }
0x68: {  	_ =	shalt  }
0x69: {  	_ =	shalt  }
0x6a: {  	_ =	shalt  }
0x6b: {  	_ =	shalt  }
0x6c: {  	_ =	shalt  }
0x6d: {  	_ =	shalt  }
0x6e: {  	_ =	shalt  }
0x6f: {  	_ =	shalt  }
0x70: {  	_ =	shalt  }
0x71: {  	_ =	shalt  }
0x72: {  	_ =	shalt  }
0x73: {  	_ =	shalt  }
0x74: {  	_ =	shalt  }
0x75: {  	_ =	shalt  }
0x76: {  	_ =	shalt  }
0x77: {  	_ =	shalt  }
0x78: {  	_ =	shalt  }
0x79: {  	_ =	shalt  }
0x7a: {  	_ =	shalt  }
0x7b: {  	_ =	shalt  }
0x7c: {  	_ =	shalt  }
0x7d: {  	_ =	shalt  }
0x7e: {  	_ =	shalt  }
0x7f: {  	_ =	shalt  }
0x80: {  	_ =	shalt  }
0x81: {  	_ =	shalt  }
0x82: {  	_ =	shalt  }
0x83: {  	_ =	shalt  }
0x84: {  	_ =	shalt  }
0x85: {  	_ =	shalt  }
0x86: {  	_ =	shalt  }
0x87: {  	_ =	shalt  }
.Lfunc_end0:
.L_simem_size_0:
called_computation_lowered:
.L_overlay_start_0:
0x88: {  	s2 =	sld [smem:$0x3FD9]  }
0x89: {  	s3 =	sld [smem:$0x3FFE];
	_ =	sdelay $0x1  }
0x8a: {  	s1 =	srdreg.scid  }
0x8b: {  	s0 =	sand.u32 $0x1, s1  }
0x8c: {  	s16 =	sshll.u32 s0, $0xA;
	s2 =	sadd.s32 s3, s2  }
0x8d: {  	s2 =	sadd.s32 s2, s16  }
0x8e: {  	[smem:$0x3FC6] =	sst s2  }
0x8f: {  	_ = 	snop  }
0x90: {  	(tm) =	ssettm $0x1  }
0x91: {  	s17 =	sld [smem:$0x3FFB];
	_ =	sdelay $0x3  }
0x92: {  	_ =	strace s17  }
0x93: {  	s2 =	sld [smem:$0x3FFC];
	_ =	sdelay $0x3  }
0x94: {  	_ =	strace s2  }
0x95: {  	s2 =	sld [smem:$0x3FFD];
	_ =	sdelay $0x3  }
0x96: {  	_ =	strace s2  }
0x97: {  	_ =	strace $0x8FFFFFFF  }
0x98: {  	s18 =	sld [smem:$0x3FDB];
	_ =	sdelay $0x1  }
0x99: {  	s19 =	simm.s32 $_scs_section_size  }
0x9a: {  	s4 =	simm.s32 $_size__tile_overlayer_lowered;
	s5 =	simm.s32 $_tile_overlayer_lowered  }
0x9b: {  	s22 =	simm.s32 $0x1BFF;
	s21 =	sshll.u32 s5, $0x1;
	s2 =	sadd.s32 s19, s18  }
0x9c: {  	s6 =	simm.s32 $0x0;
	s20 =	sshll.u32 s4, $0x1;
	s4 =	sadd.s32 s21, s2  }
0x9d: {  	[timem:s6], [sflag:s22] =	dma.local [hbm:s4], s20  }
0x9e: {  	_ =	swait.ge [sflag:s22], s20  }
0x9f: {  	s3 =	ssub.s32 $0x0, s20;
	[sflag:s22] =	ssyncset.done $0x0  }
0xa0: {  	[sflag:s22] =	ssyncadd.s32 s3;
	_ =	sdelay $0x1  }
0xa1: {  	s23 =	simm.s32 $0x1B8B  }
0xa2: {  	_ =	swait.ge [sflag:s23], $0x1  }
0xa3: {  	[sflag:s23] =	ssyncset.done $0x0  }
0xa4: {  	s25 =	simm.s32 $0x1B8E;
	s24 =	sld [smem:$0x3FFE];
	[sflag:s23] =	ssyncadd.s32 $0xFFFFFFFF  }
0xa5: {  	s26 =	simm.s32 $execute0_lowered;
	[smem:$0x3FD2] =	sst s25  }
0xa6: {  	s4 =	sshll.u32 s26, $0x1;
	_ =	strace $0x80000046;
	[dreg:$0x1] =	wrdreg $0xFFFFFFFF  }
0xa7: {  	s28 =	simm.s32 $_size_execute0_lowered;
	s2 =	sadd.s32 s2, s4;
	[dreg:$0x0] =	wrdreg $0x0  }
0xa8: {  	s4 =	sshll.u32 s28, $0x1;
	[dreg:$0x2] =	wrdreg s2  }
0xa9: {  	[dreg:$0x3] =	wrdreg s4  }
0xaa: {  	[dreg:$0x4] =	wrdreg $0xC0  }
0xab: {  	_ =	task [dreg:s6], $0x5FFFF  }
0xac: {  	[dreg:$0x1] =	wrdreg $0xFFFFFFFF  }
0xad: {  	[dreg:$0x0] =	wrdreg $0x60  }
0xae: {  	[dreg:$0x2] =	wrdreg s24  }
0xaf: {  	[dreg:$0x3] =	wrdreg $0x9  }
0xb0: {  	_ =	task.clear_ibuf [dreg:s6], $0x4FFFF;
	_ =	strace $0x90000046  }
0xb1: {  	s29 =	simm.s32 $0x9;
	_ =	strace $0x80000048  }
0xb2: {  	_ =	swait.ge [sflag:s29], $0x1  }
0xb3: {  	[sflag:s29] =	ssyncadd.s32 $0xFFFFFFFF  }
0xb4: {  	_ =	strace $0x90000048  }
0xb5: {  	_ =	sfence  }
0xb6: {  	s30 =	sld [smem:$0x0];
	_ =	sdelay $0x2  }
0xb7: {  	s31 =	sshll.u32 s1, $0xD;
	s1 =	sshrl.u32 s1, $0x2  }
0xb8: {  	s3 =	sand.u32 $0x4000, s31;
	s1 =	sadd.s32 s1, s30  }
0xb9: {  	s0 =	sor.u32 s3, s0;
	s1 =	sshll.u32 s1, $0x11  }
0xba: {  	s0 =	sor.u32 s1, s0  }
0xbb: {  	s0 =	sadd.s32 $0x8F2B, s0  }
0xbc: {  	[sflag:s0] =	ssyncadd.remote.s32 $0x1  }
0xbd: {  	_ =	sfence.sel $0xFFFF  }
0xbe: {  	[dreg:$0x0] =	wrdreg $0xFFFFFFFF;
	(pc) =	sbr.abs _section_cstart, $3  }
0xbf: {  	[dreg:$0x1] =	wrdreg $0xFFFFFFFF  }
0xc0: {  	_ =	task.clear_ibuf [dreg:s6], $0x2FFFF;
	_ =	strace $0x9FFFFFFF  }
0xc1: {  	(tm) =	ssettm $0x7FFFFFFF  }
tec
execute0_lowered:
.L_overlay_start_1:
0x0: {  	(tag) =	ssettag $0x1  }
0x1: {  	s3 =	rddreg [dreg:$0x0]  }
0x2: {  	s0 =	rddreg [dreg:$0x1]  }
0x3: {  	s1 =	stileid.u32;
	s4 =	srdreg.scid  }
0x4: {  	s2 =	simm.s32 $0x0;
	s9 =	simm.s32 $0x400;
	s10 =	simm.s32 $0x0  }
0x5: {  	s4 =	sand.u32 $0x1, s4;
	s5 =	sshll.u32 s1, $0x1;
	[smem:$0x7FF] =	sst s2  }
0x6: {  	s6 =	sshll.u32 s1, $0xB;
	s5 =	sor.u32 s4, s5;
	_ =	strace $0x80000047  }
0x7: {  	s6 =	sand.u32 $0x6000, s6;
	s4 =	ssub.s32 $0x2, s4;
	s7 =	sshll.u32 s5, $0x4  }
0x8: {  	s6 =	sadd.s32 s6, s3;
	s8 =	sshrl.u32 s4, $0x1;
	s5 =	sshll.u32 s5, $0x8  }
0x9: {  	s7 =	sand.u32 $0x70, s7;
	s31 =	ssub.s32 s4, s8;
	s3 =	sadd.s32 s3, s5  }
0xa: {  	s8 =	simm.s32 $0x80;
	s6 =	sadd.s32 s7, s6;
	s5 =	smax.u32 s31, $0x1  }
0xb: {  	v0 =	vimm.f32 $0.0e+00;
	v1 =	vlaneseq.u32;
	v2 =	vimm.f32 $1.000000000e+00;
	s7 =	simm.s32 $0x800;
	s4 =	sadd.s32 $0x2000, s6;
	s6 =	simm.s32 $0x1  }
.LBB2_1:
0xc: {  	[tilespmem:s2], [sflag:$0x1] =	stream.linear.gather [hbm4b:s3+s2], $0x800, $0x38;
	[tilespmem:$0x2800] =	vst v63  }
0xd: {  	_ =	swait.ge [sflag:s6], $0x800  }
0xe: {  	[sflag:s6] =	ssyncset.done $0x0  }
0xf: {  	s11 =	simm.s32 $0x0;
	[sflag:s6] =	ssyncadd.s32 $0xFFFFF800  }
.LBB2_2:
0x10: {  	p0 =	sne.s32 s11, $0x7FC0  }
.Ltmp0:
0x11: {  	_ = 	snop;
	(pc) =	sbr.rel @p0 .LBB2_2-.Ltmp0, $3  }
0x12: {  	_ =	sdelay $0x1  }
0x13: {  	s12 =	sshra.s32 s11, $0x2  }
0x14: {  	s11 =	sadd.s32 $0x40, s11;
	[tilespmem:s12+$0x800] =	vst v0  }
0x15: {  	s12 =	simm.s32 $0x0;
	s11 =	simm.s32 $0x40  }
.LBB2_4:
0x16: {  	p0 =	sne.s32 s11, $0x1FC0;
	v3 =	vld [tilespmem:s12+$0x0];
	_ =	sdelay $0x4  }
0x17: {  	v3 =	vshll.u32 v3, $0x4  }
0x18: {  	v3 =	vor.u32 v1, v3  }
.Ltmp1:
0x19: {  	(pc) =	sbr.rel @p0 .LBB2_4-.Ltmp1, $2  }
0x1a: {  	_ =	sdelay $0x2  }
0x1b: {  	s12 =	sshra.s32 s11, $0x2;
	s11 =	sadd.s32 $0x40, s11;
	[tilespmem:v3+s7+$0x0] =	vst.idx.add.f32.msk $0xffff, v2  }
0x1c: {  	v3 =	vld [tilespmem:s12+$0x0];
	_ =	sdelay $0x4  }
0x1d: {  	v3 =	vshll.u32 v3, $0x4  }
0x1e: {  	v3 =	vor.u32 v1, v3;
	_ =	sdelay $0x2  }
0x1f: {  	s10 =	sadd.s32 $0x1, s10  }
0x20: {  	p0 =	sne.s32 s10, s5  }
.Ltmp2:
0x21: {  	[tilespmem:v3+s7+$0x0] =	vst.idx.add.f32.msk $0xffff, v2;
	(pc) =	sbr.rel @p0 .LBB2_1-.Ltmp2, $4  }
0x22: {  	[hbm4b:s4+s8] =	stream.strided.scatter [tilespmem:s7], [sflag:$0x1], $0x2000, s9, s8, $0x38;
	[tilespmem:$0x2800] =	vst v63  }
0x23: {  	_ =	swait.ge [sflag:s6], $0x2000  }
0x24: {  	[sflag:s6] =	ssyncset.done $0x0  }
0x25: {  	[sflag:s6] =	ssyncadd.s32 $0xFFFFE000  }
0x26: {  	_ =	sfence.sel $0x180000  }
0x27: {  	[bflag:$0x0] =	sbarrier.arrive $0xFFFF  }
0x28: {  	p0 =	sne.s32 s1, $0x0;
	_ =	strace $0x90000047  }
0x29: {  	s0 =	sadd.s32 @!p0 $0x100000, s0;
	[bflag:$0x2] =	sbarrier.arrive $0xFFFF  }
0x2a: {  	[sflag:s0] =	ssyncadd.tile.s32 @!p0 $0x1;
	_ =	shalt  }
.Lfunc_end2:
_tile_overlayer_lowered:
.L_overlay_start_2:
0x2b: {  	(tag) =	ssettag $0x2  }
0x2c: {  	s0 =	rddreg [dreg:$0x0];
	s2 =	stileid.u32  }
0x2d: {  	s1 =	rddreg [dreg:$0x1];
	p0 =	sne.s32 s2, $0x0  }
0x2e: {  	s3 =	rddreg [dreg:$0x2];
	[bflag:$0x3] =	sbarrier.arrive $0xFFFF;
	s2 =	simm.s32 @!p0 $0x1C01  }
0x2f: {  	[timem:s3], [sflag:s2] =	dma.local @!p0 [hbm:s0], s1  }
0x30: {  	s0 =	simm.s32 @!p0 $0x1  }
0x31: {  	_ =	swait.ge @!p0 [sflag:s0], s1  }
0x32: {  	s1 =	ssub.s32 @!p0 $0x0, s1;
	[sflag:s0] =	ssyncset.done @!p0 $0x0  }
0x33: {  	[sflag:s0] =	ssyncadd.s32 @!p0 s1  }
0x34: {  	[bflag:$0x3] =	sbarrier.arrive $0xFFFF  }
0x35: {  	_ =	shalt  }

</sc_bundles>
